<compile_context>
chip_gen: v7x
topology: tpu7x:2x2x1
jax: 0.10.2.dev20260603
libtpu: 0.0.44.dev20260713+nightly
codegen_flags: <defaults>
</compile_context>

<pallas_src>
import functools

import jax
import jax.numpy as jnp
from jax import lax
from jax.experimental import pallas as pl
from jax.experimental.pallas import tpu as pltpu
from jax.experimental.pallas import tpu_sc as plsc

_TOKENS = 16384
_D_MODEL = 2048
_EXPERTS = 64
_BT = 1024

_NW = 32
_TPW = _TOKENS // _NW
_LANES = 16
_GPW = _TPW // _LANES


def _top2_block(x_ref, w_ref, out_ref):
    logits_t = jax.lax.dot_general(
        w_ref[...], x_ref[...], (((1,), (1,)), ((), ())),
        preferred_element_type=jnp.float32,
    )
    iota_e = jax.lax.broadcasted_iota(jnp.int32, logits_t.shape, 0)
    m1 = jnp.max(logits_t, axis=0, keepdims=True)
    i1 = jnp.min(jnp.where(logits_t == m1, iota_e, _EXPERTS), axis=0, keepdims=True)
    masked = jnp.where(iota_e == i1, -jnp.inf, logits_t)
    m2 = jnp.max(masked, axis=0, keepdims=True)
    i2 = jnp.min(jnp.where(masked == m2, iota_e, _EXPERTS), axis=0, keepdims=True)
    g1 = jax.lax.bitcast_convert_type(jax.nn.sigmoid(m1 - m2), jnp.int32)
    g2 = jax.lax.bitcast_convert_type(1.0 - jax.nn.sigmoid(m1 - m2), jnp.int32)
    out_ref[...] = jnp.concatenate([g1, g2, i1, i2], axis=0)


def _top2(x, W):
    return pl.pallas_call(
        _top2_block,
        grid=(_TOKENS // _BT,),
        in_specs=[
            pl.BlockSpec((_BT, _D_MODEL), lambda i: (i, 0)),
            pl.BlockSpec((_EXPERTS, _D_MODEL), lambda i: (0, 0)),
        ],
        out_specs=pl.BlockSpec((4, _BT), lambda i: (0, i)),
        out_shape=jax.ShapeDtypeStruct((4, _TOKENS), jnp.int32),
        compiler_params=pltpu.CompilerParams(
            dimension_semantics=("parallel",),
        ),
    )(x, W)


def _scatter(top2_hbm, out_hbm, tbuf, obuf, sem):
    wid = lax.axis_index("s") * 2 + lax.axis_index("c")
    base = wid * _TPW
    dma_in = pltpu.async_copy(top2_hbm.at[:, pl.ds(base, _TPW)], tbuf, sem)

    zeros16 = jnp.zeros((_LANES,), jnp.float32)

    def zero_body(j, carry):
        for k in range(8):
            obuf[pl.ds(j * 8 * _LANES + k * _LANES, _LANES)] = zeros16
        return carry

    lax.fori_loop(0, _TPW * _EXPERTS // (8 * _LANES), zero_body, 0)
    dma_in.wait()

    lanes = lax.iota(jnp.int32, _LANES)

    def group_body(g, carry):
        t0 = g * _LANES
        flat = (t0 + lanes) * _EXPERTS
        plsc.store_scatter(obuf, [flat + tbuf[2, pl.ds(t0, _LANES)]],
                           plsc.bitcast(tbuf[0, pl.ds(t0, _LANES)], jnp.float32))
        plsc.store_scatter(obuf, [flat + tbuf[3, pl.ds(t0, _LANES)]],
                           plsc.bitcast(tbuf[1, pl.ds(t0, _LANES)], jnp.float32))
        return carry

    half = _TPW * _EXPERTS // 2
    lax.fori_loop(0, _GPW // 2, group_body, 0)
    dma_out0 = pltpu.async_copy(
        obuf.at[pl.ds(0, half)],
        out_hbm.at[pl.ds(base * _EXPERTS, half)], sem)
    lax.fori_loop(_GPW // 2, _GPW, group_body, 0)
    dma_out0.wait()
    pltpu.sync_copy(obuf.at[pl.ds(half, half)],
                    out_hbm.at[pl.ds(base * _EXPERTS + half, half)])


@functools.cache
def _scatter_kernel():
    return pl.kernel(
        _scatter,
        mesh=plsc.VectorSubcoreMesh(core_axis_name="c", subcore_axis_name="s"),
        out_type=jax.ShapeDtypeStruct((_TOKENS * _EXPERTS,), jnp.float32),
        scratch_types=[
            pltpu.VMEM((4, _TPW), jnp.int32),
            pltpu.VMEM((_TPW * _EXPERTS,), jnp.float32),
            pltpu.SemaphoreType.DMA,
        ],
        compiler_params=pltpu.CompilerParams(needs_layout_passes=False),
    )


def kernel(x, W):
    top2 = _top2(x, W)
    gates_flat = _scatter_kernel()(top2)
    return gates_flat.reshape(_TOKENS, _EXPERTS)

# --- scband reference (transcript-rebuilt; emitter-appended) ---
"""Pipeline reference for scband-router-87402584474272 (READ-ONLY COPY).

The authoritative reference and input builder live on the scoring server;
editing this copy changes nothing except your own understanding.
"""

import jax, jax.numpy as jnp
import numpy as np

TOKENS = 16384  # batch=4 * seq_len=4096
D_MODEL = 2048
NUM_EXPERTS = 64
TOP_K = 2


def setup_inputs(seed: int = 0) -> dict:
    key = jax.random.key(seed)
    k1, k2 = jax.random.split(key)
    x = jax.random.normal(k1, (TOKENS, D_MODEL), dtype=jnp.float32)
    # xavier_uniform init for router weight [num_experts, input_dim]
    limit = float(np.sqrt(6.0 / (NUM_EXPERTS + D_MODEL)))
    W = jax.random.uniform(k2, (NUM_EXPERTS, D_MODEL), minval=-limit, maxval=limit, dtype=jnp.float32)
    return {"x": x, "W": W}


def reference(x, W):
    # gating: logits = linear(input, weight) == x @ W.T
    logits = jnp.dot(x, W.T)
    # routing: softmax over experts, top-k selection, renormalize, scatter to dense gates
    probs = jax.nn.softmax(logits, axis=-1)
    topv, topi = jax.lax.top_k(probs, TOP_K)
    topv = topv / jnp.sum(topv, axis=-1, keepdims=True)
    rows = jnp.arange(probs.shape[0])[:, None]
    gates = jnp.zeros_like(probs).at[rows, topi].set(topv)
    return gates

if __name__ == "__main__":
    import jax
    _d = setup_inputs()
    print(jax.jit(kernel)(*tuple(_d.values())))

</pallas_src>

<mosaic_0001>
#map = affine_map<(d0, d1) -> (0, 0)>
#map1 = affine_map<(d0, d1) -> (0)>
module attributes {stable_mosaic.version = 14 : i64} {
  func.func @_scatter(%arg0: i32, %arg1: i32, %arg2: memref<4x16384xi32, #tpu.memory_space<hbm>>, %arg3: memref<1048576xf32, #tpu.memory_space<hbm>>, %arg4: memref<4x512xi32, #tpu.memory_space<vmem>>, %arg5: memref<32768xf32, #tpu.memory_space<vmem>>, %arg6: memref<!tpu.dma_semaphore, #tpu.memory_space<semaphore_mem>>) attributes {dimension_semantics = [#tpu.dimension_semantics<core_parallel>, #tpu.dimension_semantics<subcore_parallel>], iteration_bounds = array<i64: 2, 16>, scalar_prefetch = 0 : i64, scratch_operands = 3 : i64, tpu.core_type = #tpu.core_type<sc_vector_subcore>, window_params = [{transform_indices = #map}, {transform_indices = #map1}]} {
    %mul3A = arith.constant 2 : i32
    %mul3A_0 = arith.muli %arg1, %mul3A : i32
    %add3A = arith.addi %mul3A_0, %arg0 : i32
    %mul3A_1 = arith.constant 512 : i32
    %mul3A_2 = arith.muli %add3A, %mul3A_1 : i32
    %dma_start3A = arith.constant 0 : i32
    %dma_start3A_3 = tpu.memref_slice %arg2[%dma_start3A, %mul3A_2] : memref<4x16384xi32, #tpu.memory_space<hbm>> -> memref<4x512xi32, #tpu.memory_space<hbm>>
    %dma_start3A_4 = arith.constant 0 : i32
    %dma_start3A_5 = tpu.memref_slice %arg2[%dma_start3A_4, %mul3A_2] : memref<4x16384xi32, #tpu.memory_space<hbm>> -> memref<4x512xi32, #tpu.memory_space<hbm>>
    tpu.enqueue_dma source(%dma_start3A_5 : memref<4x512xi32, #tpu.memory_space<hbm>>) target(%arg4 : memref<4x512xi32, #tpu.memory_space<vmem>>) target_semaphore(%arg6 : memref<!tpu.dma_semaphore, #tpu.memory_space<semaphore_mem>>)
    %broadcast_in_dim3A = arith.constant 0.000000e+00 : f32
    %broadcast_in_dim3A_6 = vector.broadcast %broadcast_in_dim3A : f32 to vector<16xf32>
    %scan3A = arith.constant 0 : i32
    %scan3A_7 = arith.constant 0 : i32
    %scan3A_8 = arith.constant 256 : i32
    %scan3A_9 = arith.addi %scan3A_7, %scan3A_8 : i32
    %scan3A_10 = arith.constant 1 : i32
    scf.for %scan3A_45 = %scan3A_7 to %scan3A_9 step %scan3A_10  : i32 {
      %mul3A_46 = arith.constant 8 : i32
      %mul3A_47 = arith.muli %scan3A_45, %mul3A_46 : i32
      %mul3A_48 = arith.constant 16 : i32
      %mul3A_49 = arith.muli %mul3A_47, %mul3A_48 : i32
      %add3A_50 = arith.constant 0 : i32
      %add3A_51 = arith.addi %mul3A_49, %add3A_50 : i32
      %swap3A = arith.index_cast %add3A_51 : i32 to index
      %swap3A_52 = tpu.vector_load %arg5[%swap3A] {strides = array<i32>} : memref<32768xf32, #tpu.memory_space<vmem>>, vector<16xf32>,
      tpu.vector_store %arg5[%swap3A], %broadcast_in_dim3A_6 {strides = array<i32>} : memref<32768xf32, #tpu.memory_space<vmem>>, vector<16xf32>,
      %mul3A_53 = arith.constant 8 : i32
      %mul3A_54 = arith.muli %scan3A_45, %mul3A_53 : i32
      %mul3A_55 = arith.constant 16 : i32
      %mul3A_56 = arith.muli %mul3A_54, %mul3A_55 : i32
      %add3A_57 = arith.constant 16 : i32
      %add3A_58 = arith.addi %mul3A_56, %add3A_57 : i32
      %swap3A_59 = arith.index_cast %add3A_58 : i32 to index
      %swap3A_60 = tpu.vector_load %arg5[%swap3A_59] {strides = array<i32>} : memref<32768xf32, #tpu.memory_space<vmem>>, vector<16xf32>,
      tpu.vector_store %arg5[%swap3A_59], %broadcast_in_dim3A_6 {strides = array<i32>} : memref<32768xf32, #tpu.memory_space<vmem>>, vector<16xf32>,
      %mul3A_61 = arith.constant 8 : i32
      %mul3A_62 = arith.muli %scan3A_45, %mul3A_61 : i32
      %mul3A_63 = arith.constant 16 : i32
      %mul3A_64 = arith.muli %mul3A_62, %mul3A_63 : i32
      %add3A_65 = arith.constant 32 : i32
      %add3A_66 = arith.addi %mul3A_64, %add3A_65 : i32
      %swap3A_67 = arith.index_cast %add3A_66 : i32 to index
      %swap3A_68 = tpu.vector_load %arg5[%swap3A_67] {strides = array<i32>} : memref<32768xf32, #tpu.memory_space<vmem>>, vector<16xf32>,
      tpu.vector_store %arg5[%swap3A_67], %broadcast_in_dim3A_6 {strides = array<i32>} : memref<32768xf32, #tpu.memory_space<vmem>>, vector<16xf32>,
      %mul3A_69 = arith.constant 8 : i32
      %mul3A_70 = arith.muli %scan3A_45, %mul3A_69 : i32
      %mul3A_71 = arith.constant 16 : i32
      %mul3A_72 = arith.muli %mul3A_70, %mul3A_71 : i32
      %add3A_73 = arith.constant 48 : i32
      %add3A_74 = arith.addi %mul3A_72, %add3A_73 : i32
      %swap3A_75 = arith.index_cast %add3A_74 : i32 to index
      %swap3A_76 = tpu.vector_load %arg5[%swap3A_75] {strides = array<i32>} : memref<32768xf32, #tpu.memory_space<vmem>>, vector<16xf32>,
      tpu.vector_store %arg5[%swap3A_75], %broadcast_in_dim3A_6 {strides = array<i32>} : memref<32768xf32, #tpu.memory_space<vmem>>, vector<16xf32>,
      %mul3A_77 = arith.constant 8 : i32
      %mul3A_78 = arith.muli %scan3A_45, %mul3A_77 : i32
      %mul3A_79 = arith.constant 16 : i32
      %mul3A_80 = arith.muli %mul3A_78, %mul3A_79 : i32
      %add3A_81 = arith.constant 64 : i32
      %add3A_82 = arith.addi %mul3A_80, %add3A_81 : i32
      %swap3A_83 = arith.index_cast %add3A_82 : i32 to index
      %swap3A_84 = tpu.vector_load %arg5[%swap3A_83] {strides = array<i32>} : memref<32768xf32, #tpu.memory_space<vmem>>, vector<16xf32>,
      tpu.vector_store %arg5[%swap3A_83], %broadcast_in_dim3A_6 {strides = array<i32>} : memref<32768xf32, #tpu.memory_space<vmem>>, vector<16xf32>,
      %mul3A_85 = arith.constant 8 : i32
      %mul3A_86 = arith.muli %scan3A_45, %mul3A_85 : i32
      %mul3A_87 = arith.constant 16 : i32
      %mul3A_88 = arith.muli %mul3A_86, %mul3A_87 : i32
      %add3A_89 = arith.constant 80 : i32
      %add3A_90 = arith.addi %mul3A_88, %add3A_89 : i32
      %swap3A_91 = arith.index_cast %add3A_90 : i32 to index
      %swap3A_92 = tpu.vector_load %arg5[%swap3A_91] {strides = array<i32>} : memref<32768xf32, #tpu.memory_space<vmem>>, vector<16xf32>,
      tpu.vector_store %arg5[%swap3A_91], %broadcast_in_dim3A_6 {strides = array<i32>} : memref<32768xf32, #tpu.memory_space<vmem>>, vector<16xf32>,
      %mul3A_93 = arith.constant 8 : i32
      %mul3A_94 = arith.muli %scan3A_45, %mul3A_93 : i32
      %mul3A_95 = arith.constant 16 : i32
      %mul3A_96 = arith.muli %mul3A_94, %mul3A_95 : i32
      %add3A_97 = arith.constant 96 : i32
      %add3A_98 = arith.addi %mul3A_96, %add3A_97 : i32
      %swap3A_99 = arith.index_cast %add3A_98 : i32 to index
      %swap3A_100 = tpu.vector_load %arg5[%swap3A_99] {strides = array<i32>} : memref<32768xf32, #tpu.memory_space<vmem>>, vector<16xf32>,
      tpu.vector_store %arg5[%swap3A_99], %broadcast_in_dim3A_6 {strides = array<i32>} : memref<32768xf32, #tpu.memory_space<vmem>>, vector<16xf32>,
      %mul3A_101 = arith.constant 8 : i32
      %mul3A_102 = arith.muli %scan3A_45, %mul3A_101 : i32
      %mul3A_103 = arith.constant 16 : i32
      %mul3A_104 = arith.muli %mul3A_102, %mul3A_103 : i32
      %add3A_105 = arith.constant 112 : i32
      %add3A_106 = arith.addi %mul3A_104, %add3A_105 : i32
      %swap3A_107 = arith.index_cast %add3A_106 : i32 to index
      %swap3A_108 = tpu.vector_load %arg5[%swap3A_107] {strides = array<i32>} : memref<32768xf32, #tpu.memory_space<vmem>>, vector<16xf32>,
      tpu.vector_store %arg5[%swap3A_107], %broadcast_in_dim3A_6 {strides = array<i32>} : memref<32768xf32, #tpu.memory_space<vmem>>, vector<16xf32>,
    }
    %scan3A_11 = arith.constant 256 : i32
    %dma_wait3A = arith.constant 0 : i32
    %dma_wait3A_12 = tpu.memref_slice %arg2[%dma_wait3A, %mul3A_2] : memref<4x16384xi32, #tpu.memory_space<hbm>> -> memref<4x512xi32, #tpu.memory_space<hbm>>
    %dma_wait3A_13 = arith.constant 0 : i32
    %dma_wait3A_14 = tpu.memref_slice %arg2[%dma_wait3A_13, %mul3A_2] : memref<4x16384xi32, #tpu.memory_space<hbm>> -> memref<4x512xi32, #tpu.memory_space<hbm>>
    tpu.wait_dma2 semaphore(%arg6 : memref<!tpu.dma_semaphore, #tpu.memory_space<semaphore_mem>>) src(%dma_wait3A_14 : memref<4x512xi32, #tpu.memory_space<hbm>>) dst(%arg4 : memref<4x512xi32, #tpu.memory_space<vmem>>)
    %iota3A = tpu.iota {dimensions = array<i32: 0>} : vector<16xi32>
    %scan3A_15 = arith.constant 0 : i32
    %scan3A_16 = arith.constant 0 : i32
    %scan3A_17 = arith.constant 16 : i32
    %scan3A_18 = arith.addi %scan3A_16, %scan3A_17 : i32
    %scan3A_19 = arith.constant 1 : i32
    scf.for %scan3A_45 = %scan3A_16 to %scan3A_18 step %scan3A_19  : i32 {
      %mul3A_46 = arith.constant 16 : i32
      %mul3A_47 = arith.muli %scan3A_45, %mul3A_46 : i32
      %add3A_48 = vector.broadcast %mul3A_47 : i32 to vector<16xi32>
      %add3A_49 = arith.addi %add3A_48, %iota3A : vector<16xi32>
      %mul3A_50 = arith.constant 64 : i32
      %mul3A_51 = vector.broadcast %mul3A_50 : i32 to vector<16xi32>
      %mul3A_52 = arith.muli %add3A_49, %mul3A_51 : vector<16xi32>
      %get3A = arith.constant 2 : i32
      %get3A_53 = arith.index_cast %get3A : i32 to index
      %get3A_54 = arith.index_cast %mul3A_47 : i32 to index
      %get3A_55 = tpu.vector_load %arg4[%get3A_53, %get3A_54] {strides = array<i32>} : memref<4x512xi32, #tpu.memory_space<vmem>>, vector<16xi32>,
      %add3A_56 = arith.addi %mul3A_52, %get3A_55 : vector<16xi32>
      %get3A_57 = arith.constant 0 : i32
      %get3A_58 = arith.index_cast %get3A_57 : i32 to index
      %get3A_59 = arith.index_cast %mul3A_47 : i32 to index
      %get3A_60 = tpu.vector_load %arg4[%get3A_58, %get3A_59] {strides = array<i32>} : memref<4x512xi32, #tpu.memory_space<vmem>>, vector<16xi32>,
      %bitcast3A = vector.bitcast %get3A_60 : vector<16xi32> to vector<16xf32>
      tpu.vector_store_idx %arg5[%add3A_56], %bitcast3A : memref<32768xf32, #tpu.memory_space<vmem>>[vector<16xi32>], vector<16xf32>,
      %get3A_61 = arith.constant 3 : i32
      %get3A_62 = arith.index_cast %get3A_61 : i32 to index
      %get3A_63 = arith.index_cast %mul3A_47 : i32 to index
      %get3A_64 = tpu.vector_load %arg4[%get3A_62, %get3A_63] {strides = array<i32>} : memref<4x512xi32, #tpu.memory_space<vmem>>, vector<16xi32>,
      %add3A_65 = arith.addi %mul3A_52, %get3A_64 : vector<16xi32>
      %get3A_66 = arith.constant 1 : i32
      %get3A_67 = arith.index_cast %get3A_66 : i32 to index
      %get3A_68 = arith.index_cast %mul3A_47 : i32 to index
      %get3A_69 = tpu.vector_load %arg4[%get3A_67, %get3A_68] {strides = array<i32>} : memref<4x512xi32, #tpu.memory_space<vmem>>, vector<16xi32>,
      %bitcast3A_70 = vector.bitcast %get3A_69 : vector<16xi32> to vector<16xf32>
      tpu.vector_store_idx %arg5[%add3A_65], %bitcast3A_70 : memref<32768xf32, #tpu.memory_space<vmem>>[vector<16xi32>], vector<16xf32>,
    }
    %scan3A_20 = arith.constant 16 : i32
    %mul3A_21 = arith.constant 64 : i32
    %mul3A_22 = arith.muli %mul3A_2, %mul3A_21 : i32
    %dma_start3A_23 = arith.constant 0 : i32
    %dma_start3A_24 = tpu.memref_slice %arg5[%dma_start3A_23] : memref<32768xf32, #tpu.memory_space<vmem>> -> memref<16384xf32, #tpu.memory_space<vmem>>
    %dma_start3A_25 = tpu.memref_slice %arg3[%mul3A_22] : memref<1048576xf32, #tpu.memory_space<hbm>> -> memref<16384xf32, #tpu.memory_space<hbm>>
    %dma_start3A_26 = tpu.memref_slice %arg3[%mul3A_22] : memref<1048576xf32, #tpu.memory_space<hbm>> -> memref<16384xf32, #tpu.memory_space<hbm>>
    %dma_start3A_27 = arith.constant 0 : i32
    %dma_start3A_28 = tpu.memref_slice %arg5[%dma_start3A_27] : memref<32768xf32, #tpu.memory_space<vmem>> -> memref<16384xf32, #tpu.memory_space<vmem>>
    tpu.enqueue_dma source(%dma_start3A_28 : memref<16384xf32, #tpu.memory_space<vmem>>) target(%dma_start3A_26 : memref<16384xf32, #tpu.memory_space<hbm>>) target_semaphore(%arg6 : memref<!tpu.dma_semaphore, #tpu.memory_space<semaphore_mem>>)
    %scan3A_29 = arith.constant 0 : i32
    %scan3A_30 = arith.constant 16 : i32
    %scan3A_31 = arith.constant 16 : i32
    %scan3A_32 = arith.addi %scan3A_30, %scan3A_31 : i32
    %scan3A_33 = arith.constant 1 : i32
    scf.for %scan3A_45 = %scan3A_30 to %scan3A_32 step %scan3A_33  : i32 {
      %mul3A_46 = arith.constant 16 : i32
      %mul3A_47 = arith.muli %scan3A_45, %mul3A_46 : i32
      %add3A_48 = vector.broadcast %mul3A_47 : i32 to vector<16xi32>
      %add3A_49 = arith.addi %add3A_48, %iota3A : vector<16xi32>
      %mul3A_50 = arith.constant 64 : i32
      %mul3A_51 = vector.broadcast %mul3A_50 : i32 to vector<16xi32>
      %mul3A_52 = arith.muli %add3A_49, %mul3A_51 : vector<16xi32>
      %get3A = arith.constant 2 : i32
      %get3A_53 = arith.index_cast %get3A : i32 to index
      %get3A_54 = arith.index_cast %mul3A_47 : i32 to index
      %get3A_55 = tpu.vector_load %arg4[%get3A_53, %get3A_54] {strides = array<i32>} : memref<4x512xi32, #tpu.memory_space<vmem>>, vector<16xi32>,
      %add3A_56 = arith.addi %mul3A_52, %get3A_55 : vector<16xi32>
      %get3A_57 = arith.constant 0 : i32
      %get3A_58 = arith.index_cast %get3A_57 : i32 to index
      %get3A_59 = arith.index_cast %mul3A_47 : i32 to index
      %get3A_60 = tpu.vector_load %arg4[%get3A_58, %get3A_59] {strides = array<i32>} : memref<4x512xi32, #tpu.memory_space<vmem>>, vector<16xi32>,
      %bitcast3A = vector.bitcast %get3A_60 : vector<16xi32> to vector<16xf32>
      tpu.vector_store_idx %arg5[%add3A_56], %bitcast3A : memref<32768xf32, #tpu.memory_space<vmem>>[vector<16xi32>], vector<16xf32>,
      %get3A_61 = arith.constant 3 : i32
      %get3A_62 = arith.index_cast %get3A_61 : i32 to index
      %get3A_63 = arith.index_cast %mul3A_47 : i32 to index
      %get3A_64 = tpu.vector_load %arg4[%get3A_62, %get3A_63] {strides = array<i32>} : memref<4x512xi32, #tpu.memory_space<vmem>>, vector<16xi32>,
      %add3A_65 = arith.addi %mul3A_52, %get3A_64 : vector<16xi32>
      %get3A_66 = arith.constant 1 : i32
      %get3A_67 = arith.index_cast %get3A_66 : i32 to index
      %get3A_68 = arith.index_cast %mul3A_47 : i32 to index
      %get3A_69 = tpu.vector_load %arg4[%get3A_67, %get3A_68] {strides = array<i32>} : memref<4x512xi32, #tpu.memory_space<vmem>>, vector<16xi32>,
      %bitcast3A_70 = vector.bitcast %get3A_69 : vector<16xi32> to vector<16xf32>
      tpu.vector_store_idx %arg5[%add3A_65], %bitcast3A_70 : memref<32768xf32, #tpu.memory_space<vmem>>[vector<16xi32>], vector<16xf32>,
    }
    %scan3A_34 = arith.constant 16 : i32
    %dma_wait3A_35 = arith.constant 0 : i32
    %dma_wait3A_36 = tpu.memref_slice %arg5[%dma_wait3A_35] : memref<32768xf32, #tpu.memory_space<vmem>> -> memref<16384xf32, #tpu.memory_space<vmem>>
    %dma_wait3A_37 = tpu.memref_slice %arg3[%mul3A_22] : memref<1048576xf32, #tpu.memory_space<hbm>> -> memref<16384xf32, #tpu.memory_space<hbm>>
    %dma_wait3A_38 = tpu.memref_slice %arg3[%mul3A_22] : memref<1048576xf32, #tpu.memory_space<hbm>> -> memref<16384xf32, #tpu.memory_space<hbm>>
    %dma_wait3A_39 = arith.constant 0 : i32
    %dma_wait3A_40 = tpu.memref_slice %arg5[%dma_wait3A_39] : memref<32768xf32, #tpu.memory_space<vmem>> -> memref<16384xf32, #tpu.memory_space<vmem>>
    tpu.wait_dma2 semaphore(%arg6 : memref<!tpu.dma_semaphore, #tpu.memory_space<semaphore_mem>>) src(%dma_wait3A_40 : memref<16384xf32, #tpu.memory_space<vmem>>) dst(%dma_wait3A_38 : memref<16384xf32, #tpu.memory_space<hbm>>)
    %mul3A_41 = arith.constant 64 : i32
    %mul3A_42 = arith.muli %mul3A_2, %mul3A_41 : i32
    %add3A_43 = arith.constant 16384 : i32
    %add3A_44 = arith.addi %mul3A_42, %add3A_43 : i32
    "tpu.region"() ({
      %run_scoped3A = tpu.sem_alloc : memref<!tpu.dma_semaphore, #tpu.memory_space<semaphore_mem>>
      %dma_start3A_45 = arith.constant 16384 : i32
      %dma_start3A_46 = tpu.memref_slice %arg5[%dma_start3A_45] : memref<32768xf32, #tpu.memory_space<vmem>> -> memref<16384xf32, #tpu.memory_space<vmem>>
      %dma_start3A_47 = tpu.memref_slice %arg3[%add3A_44] : memref<1048576xf32, #tpu.memory_space<hbm>> -> memref<16384xf32, #tpu.memory_space<hbm>>
      %dma_start3A_48 = tpu.memref_slice %arg3[%add3A_44] : memref<1048576xf32, #tpu.memory_space<hbm>> -> memref<16384xf32, #tpu.memory_space<hbm>>
      %dma_start3A_49 = arith.constant 16384 : i32
      %dma_start3A_50 = tpu.memref_slice %arg5[%dma_start3A_49] : memref<32768xf32, #tpu.memory_space<vmem>> -> memref<16384xf32, #tpu.memory_space<vmem>>
      tpu.enqueue_dma source(%dma_start3A_50 : memref<16384xf32, #tpu.memory_space<vmem>>) target(%dma_start3A_48 : memref<16384xf32, #tpu.memory_space<hbm>>) target_semaphore(%run_scoped3A : memref<!tpu.dma_semaphore, #tpu.memory_space<semaphore_mem>>)
      %dma_wait3A_51 = arith.constant 16384 : i32
      %dma_wait3A_52 = tpu.memref_slice %arg5[%dma_wait3A_51] : memref<32768xf32, #tpu.memory_space<vmem>> -> memref<16384xf32, #tpu.memory_space<vmem>>
      %dma_wait3A_53 = tpu.memref_slice %arg3[%add3A_44] : memref<1048576xf32, #tpu.memory_space<hbm>> -> memref<16384xf32, #tpu.memory_space<hbm>>
      %dma_wait3A_54 = tpu.memref_slice %arg3[%add3A_44] : memref<1048576xf32, #tpu.memory_space<hbm>> -> memref<16384xf32, #tpu.memory_space<hbm>>
      %dma_wait3A_55 = arith.constant 16384 : i32
      %dma_wait3A_56 = tpu.memref_slice %arg5[%dma_wait3A_55] : memref<32768xf32, #tpu.memory_space<vmem>> -> memref<16384xf32, #tpu.memory_space<vmem>>
      tpu.wait_dma2 semaphore(%run_scoped3A : memref<!tpu.dma_semaphore, #tpu.memory_space<semaphore_mem>>) src(%dma_wait3A_56 : memref<16384xf32, #tpu.memory_space<vmem>>) dst(%dma_wait3A_54 : memref<16384xf32, #tpu.memory_space<hbm>>)
      tpu.yield
    }) : () -> ()
    return
  }
}

module attributes {stable_mosaic.version = 14 : i64} {
  func.func @_top2_block(%arg0: i32, %arg1: memref<1024x2048xf32, #tpu.memory_space<vmem>>, %arg2: memref<64x2048xf32, #tpu.memory_space<vmem>>, %arg3: memref<4x1024xi32, #tpu.memory_space<vmem>>) attributes {dimension_semantics = [#tpu.dimension_semantics<parallel>], iteration_bounds = array<i64: 16>, scalar_prefetch = 0 : i64, scratch_operands = 0 : i64, tpu.core_type = #tpu.core_type<tc>, window_params = [{transform_indices = @transform_0, window_bounds = array<i64: 1024, 2048>}, {pipeline_mode = #tpu.pipeline_mode<synchronous>, transform_indices = @transform_1, window_bounds = array<i64: 64, 2048>}, {transform_indices = @transform_2, window_bounds = array<i64: 4, 1024>}]} {
    %get3A = arith.constant 0 : index
    %get3A_0 = arith.constant 0 : index
    %get3A_1 = vector.load %arg2[%get3A, %get3A_0] : memref<64x2048xf32, #tpu.memory_space<vmem>>, vector<64x2048xf32>
    %get3A_2 = arith.constant 0 : index
    %get3A_3 = arith.constant 0 : index
    %get3A_4 = vector.load %arg1[%get3A_2, %get3A_3] : memref<1024x2048xf32, #tpu.memory_space<vmem>>, vector<1024x2048xf32>
    %dot_general3A = arith.constant dense<0.000000e+00> : vector<64x1024xf32>
    %dot_general3A_5 = tpu.matmul %get3A_1, %get3A_4, %dot_general3A {dimension_numbers = #tpu.dot_dimension_numbers<[1], [1], [0], [0], [0, 0, 1, 0], [], []>, transpose_lhs_hint = false} : vector<64x2048xf32>, vector<1024x2048xf32>, vector<64x1024xf32> -> vector<64x1024xf32>
    %iota3A = tpu.iota {dimensions = array<i32: 0>} : vector<64x1024xi32>
    %reduce_max3A = arith.constant dense<0xFF800000> : vector<1024xf32>
    %reduce_max3A_6 = vector.multi_reduction <maximumf>, %dot_general3A_5, %reduce_max3A [0] : vector<64x1024xf32> to vector<1024xf32>
    %broadcast_in_dim3A = vector.shape_cast %reduce_max3A_6 : vector<1024xf32> to vector<1x1024xf32>
    %eq3A = vector.broadcast %broadcast_in_dim3A : vector<1x1024xf32> to vector<64x1024xf32>
    %eq3A_7 = arith.cmpf oeq, %dot_general3A_5, %eq3A : vector<64x1024xf32>
    %jit3A = arith.constant 64 : i32
    %broadcast_in_dim3A_8 = vector.broadcast %jit3A : i32 to vector<64x1024xi32>
    %select_n3A = arith.select %eq3A_7, %iota3A, %broadcast_in_dim3A_8 : vector<64x1024xi1>, vector<64x1024xi32>
    %reduce_min3A = arith.constant dense<2147483647> : vector<1024xi32>
    %reduce_min3A_9 = vector.multi_reduction <minsi>, %select_n3A, %reduce_min3A [0] : vector<64x1024xi32> to vector<1024xi32>
    %broadcast_in_dim3A_10 = vector.shape_cast %reduce_min3A_9 : vector<1024xi32> to vector<1x1024xi32>
    %eq3A_11 = vector.broadcast %broadcast_in_dim3A_10 : vector<1x1024xi32> to vector<64x1024xi32>
    %eq3A_12 = arith.cmpi eq, %iota3A, %eq3A_11 : vector<64x1024xi32>
    %jit3A_13 = arith.constant 0xFF800000 : f32
    %broadcast_in_dim3A_14 = vector.broadcast %jit3A_13 : f32 to vector<64x1024xf32>
    %select_n3A_15 = arith.select %eq3A_12, %broadcast_in_dim3A_14, %dot_general3A_5 : vector<64x1024xi1>, vector<64x1024xf32>
    %reduce_max3A_16 = arith.constant dense<0xFF800000> : vector<1024xf32>
    %reduce_max3A_17 = vector.multi_reduction <maximumf>, %select_n3A_15, %reduce_max3A_16 [0] : vector<64x1024xf32> to vector<1024xf32>
    %broadcast_in_dim3A_18 = vector.shape_cast %reduce_max3A_17 : vector<1024xf32> to vector<1x1024xf32>
    %eq3A_19 = vector.broadcast %broadcast_in_dim3A_18 : vector<1x1024xf32> to vector<64x1024xf32>
    %eq3A_20 = arith.cmpf oeq, %select_n3A_15, %eq3A_19 : vector<64x1024xf32>
    %jit3A_21 = arith.constant 64 : i32
    %broadcast_in_dim3A_22 = vector.broadcast %jit3A_21 : i32 to vector<64x1024xi32>
    %select_n3A_23 = arith.select %eq3A_20, %iota3A, %broadcast_in_dim3A_22 : vector<64x1024xi1>, vector<64x1024xi32>
    %reduce_min3A_24 = arith.constant dense<2147483647> : vector<1024xi32>
    %reduce_min3A_25 = vector.multi_reduction <minsi>, %select_n3A_23, %reduce_min3A_24 [0] : vector<64x1024xi32> to vector<1024xi32>
    %broadcast_in_dim3A_26 = vector.shape_cast %reduce_min3A_25 : vector<1024xi32> to vector<1x1024xi32>
    %sub3A = arith.subf %broadcast_in_dim3A, %broadcast_in_dim3A_18 : vector<1x1024xf32>
    %logistic3A = arith.negf %sub3A : vector<1x1024xf32>
    %logistic3A_27 = math.exp %logistic3A : vector<1x1024xf32>
    %logistic3A_28 = arith.constant 1.000000e+00 : f32
    %logistic3A_29 = vector.broadcast %logistic3A_28 : f32 to vector<1x1024xf32>
    %logistic3A_30 = arith.addf %logistic3A_29, %logistic3A_27 : vector<1x1024xf32>
    %logistic3A_31 = arith.divf %logistic3A_29, %logistic3A_30 : vector<1x1024xf32>
    %bitcast_convert_type3A = tpu.bitcast %logistic3A_31 : vector<1x1024xf32> -> vector<1x1024xi32>
    %sub3A_32 = arith.subf %broadcast_in_dim3A, %broadcast_in_dim3A_18 : vector<1x1024xf32>
    %logistic3A_33 = arith.negf %sub3A_32 : vector<1x1024xf32>
    %logistic3A_34 = math.exp %logistic3A_33 : vector<1x1024xf32>
    %logistic3A_35 = arith.constant 1.000000e+00 : f32
    %logistic3A_36 = vector.broadcast %logistic3A_35 : f32 to vector<1x1024xf32>
    %logistic3A_37 = arith.addf %logistic3A_36, %logistic3A_34 : vector<1x1024xf32>
    %logistic3A_38 = arith.divf %logistic3A_36, %logistic3A_37 : vector<1x1024xf32>
    %sub3A_39 = arith.constant 1.000000e+00 : f32
    %sub3A_40 = vector.broadcast %sub3A_39 : f32 to vector<1x1024xf32>
    %sub3A_41 = arith.subf %sub3A_40, %logistic3A_38 : vector<1x1024xf32>
    %bitcast_convert_type3A_42 = tpu.bitcast %sub3A_41 : vector<1x1024xf32> -> vector<1x1024xi32>
    %concatenate3A = tpu.concatenate %bitcast_convert_type3A, %bitcast_convert_type3A_42, %broadcast_in_dim3A_10, %broadcast_in_dim3A_26 in 0 : vector<1x1024xi32>, vector<1x1024xi32>, vector<1x1024xi32>, vector<1x1024xi32> -> vector<4x1024xi32>
    %swap3A = arith.constant 0 : index
    %swap3A_43 = arith.constant 0 : index
    %swap3A_44 = vector.load %arg3[%swap3A, %swap3A_43] : memref<4x1024xi32, #tpu.memory_space<vmem>>, vector<4x1024xi32>
    tpu.vector_store %arg3[%swap3A, %swap3A_43], %concatenate3A {strides = array<i32>} : memref<4x1024xi32, #tpu.memory_space<vmem>>, vector<4x1024xi32>,
    return
  }
  func.func @transform_0(%arg0: i32) -> (i32, i32) {
    %c0_i32 = arith.constant 0 : i32
    %c0_i32_0 = arith.constant 0 : i32
    return %arg0, %c0_i32 : i32, i32
  }
  func.func @transform_1(%arg0: i32) -> (i32, i32) {
    %c0_i32 = arith.constant 0 : i32
    %c0_i32_0 = arith.constant 0 : i32
    %c0_i32_1 = arith.constant 0 : i32
    return %c0_i32, %c0_i32_0 : i32, i32
  }
  func.func @transform_2(%arg0: i32) -> (i32, i32) {
    %c0_i32 = arith.constant 0 : i32
    %c0_i32_0 = arith.constant 0 : i32
    return %c0_i32, %arg0 : i32, i32
  }
}

</mosaic_0001>

<sc_bundles>
// kernel: kernel.4.cloned.1.call-start
scs
__scs_entry_jumppad:
0x0: {  	(pc) =	sbr.rel $0x88, $3  }
0x1: {  	(tag) =	ssettag $0x0;
	lr =	simm.s32 $0x1  }
0x2: {  	[smem:$0x3F9F] =	sst lr;
	_ =	strace $0xD0000000  }
0x3: {  	_ = 	snop  }
0x4: {  	_ = 	snop  }
0x5: {  	_ = 	snop  }
0x6: {  	_ = 	snop  }
0x7: {  	_ = 	snop  }
__scs_overlays_trampoline_lowered:
0x8: {  	[smem:$0x3FAE] =	sst s0  }
0x9: {  	[smem:$0x3FAF] =	sst s1  }
0xa: {  	[smem:$0x3FB0] =	sst s2  }
0xb: {  	[smem:$0x3FB1] =	sst s3  }
0xc: {  	[smem:$0x3FB2] =	sst s4  }
0xd: {  	[smem:$0x3FB3] =	sst s5  }
0xe: {  	[smem:$0x3FB4] =	sst s6  }
0xf: {  	[smem:$0x3FB5] =	sst s7  }
0x10: {  	[smem:$0x3FB6] =	sst s8  }
0x11: {  	[smem:$0x3FB7] =	sst s9;
	s0 =	simm.s32 @!p0 $0x0  }
0x12: {  	s1 =	sld [smem:$0x3F9D];
	s0 =	simm.s32 @p0 $0x1  }
0x13: {  	[smem:$0x3FB8] =	sst s0;
	s0 =	simm.s32 @!p1 $0x0  }
0x14: {  	s2 =	sld [smem:$0x3F9C];
	s0 =	simm.s32 @p1 $0x1  }
0x15: {  	[smem:$0x3FB9] =	sst s0;
	s0 =	simm.s32 @!p2 $0x0  }
0x16: {  	s3 =	sld [smem:$0x3FDB];
	s0 =	simm.s32 @p2 $0x1  }
0x17: {  	s4 =	simm.s32 $0x1BF5;
	[smem:$0x3FBB] =	sst s0  }
0x18: {  	s0 =	sld [smem:$0x3F9E];
	_ =	swait.ge [sflag:s4], $0x0  }
0x19: {  	s7 =	sld [smem:$0x3F9F]  }
0x1a: {  	s8 =	sadd.s32 $0xFFFFE003, lr  }
0x1b: {  	s9 =	sadd.s32 $0xFFFFFEF7, lr;
	s5 =	simm.s32 $0xFFFFFFFF;
	p2 =	slt.u32 s8, $0xFFFFF086  }
0x1c: {  	p1 =	slt.u32 s9, $0xF7A;
	s5 =	simm.s32 @!p2 $0x0  }
0x1d: {  	s5 =	simm.s32 @p1 $0x1;
	p0 =	seq.s32 s7, s2  }
0x1e: {  	s7 =	smul.u32 @!p0 $0xF7A, s2;
	p2 =	seq.s32 @!p0 s5, $0x0  }
0x1f: {  	s9 =	smul.u32 $0xF7A, s1;
	s8 =	simm.s32 @!p0 $0x1BF5;
	p2 =	por !p2, p0  }
0x20: {  	[sflag:s8] =	ssyncset.s32 @!p0 $0xFFFFF086;
	s6 =	sadd.s32 @!p0 s3, s7;
	s7 =	simm.s32 @!p0 $0x108  }
0x21: {  	s3 =	sadd.s32 s3, s9;
	s6 =	sadd.s32 @!p0 $0x88, s6;
	s7 =	simm.s32 @p2 $0x1082  }
0x22: {  	[simem:s7], [sflag:s8] =	dma.local @!p0 [hbm:s6], $0xF7A  }
0x23: {  	s9 =	sor.u32 $0xD0000000, s2;
	s6 =	simm.s32 $0x108;
	_ =	swait.ge @!p0 [sflag:s8], $0x0  }
0x24: {  	s3 =	sadd.s32 $0x88, s3;
	s6 =	simm.s32 @!p1 $0x1082;
	[sflag:s4] =	ssyncset.s32 $0xFFFFF086  }
0x25: {  	[simem:s6], [sflag:s4] =	dma.local [hbm:s3], $0xF7A  }
0x26: {  	[smem:$0x3F9F] =	sst s1;
	(tag) =	ssettag s2;
	_ =	strace s9  }
0x27: {  	s1 =	sld [smem:$0x3FAF]  }
0x28: {  	s2 =	sld [smem:$0x3FB0]  }
0x29: {  	s4 =	sld [smem:$0x3FB2]  }
0x2a: {  	p0 =	seq.s32 s5, $0x0;
	s5 =	sld [smem:$0x3FB3]  }
0x2b: {  	s6 =	sld [smem:$0x3FB4]  }
0x2c: {  	s7 =	sld [smem:$0x3FB5]  }
0x2d: {  	s3 =	simm.s32 $0x108;
	s8 =	sld [smem:$0x3FB6]  }
0x2e: {  	s3 =	simm.s32 @!p0 $0x1082;
	s9 =	sld [smem:$0x3FB7]  }
0x2f: {  	lr =	sadd.s32 s0, s3;
	s0 =	sld [smem:$0x3FAE]  }
0x30: {  	s3 =	sld [smem:$0x3FB1]  }
0x31: {  	[smem:$0x3FBA] =	sst s10  }
0x32: {  	s10 =	sld [smem:$0x3FB8];
	_ =	sdelay $0x3  }
0x33: {  	p0 =	seq.s32 s10, $0x1;
	s10 =	sld [smem:$0x3FBA];
	_ =	sdelay $0x3  }
0x34: {  	[smem:$0x3FBA] =	sst s10  }
0x35: {  	s10 =	sld [smem:$0x3FB9];
	_ =	sdelay $0x3  }
0x36: {  	p1 =	seq.s32 s10, $0x1;
	s10 =	sld [smem:$0x3FBA];
	_ =	sdelay $0x3  }
0x37: {  	[smem:$0x3FBA] =	sst s10  }
0x38: {  	s10 =	sld [smem:$0x3FBB]  }
0x39: {  	_ = 	snop;
	(pc) =	sbr.ind lr, $3  }
0x3a: {  	_ = 	snop  }
0x3b: {  	_ = 	snop  }
0x3c: {  	p2 =	seq.s32 s10, $0x1;
	s10 =	sld [smem:$0x3FBA]  }
0x3d: {  	_ =	shalt  }
0x3e: {  	_ =	shalt  }
0x3f: {  	_ =	shalt  }
0x40: {  	_ =	shalt  }
0x41: {  	_ =	shalt  }
0x42: {  	_ =	shalt  }
0x43: {  	_ =	shalt  }
0x44: {  	_ =	shalt  }
0x45: {  	_ =	shalt  }
0x46: {  	_ =	shalt  }
0x47: {  	_ =	shalt  }
0x48: {  	_ =	shalt  }
0x49: {  	_ =	shalt  }
0x4a: {  	_ =	shalt  }
0x4b: {  	_ =	shalt  }
0x4c: {  	_ =	shalt  }
0x4d: {  	_ =	shalt  }
0x4e: {  	_ =	shalt  }
0x4f: {  	_ =	shalt  }
0x50: {  	_ =	shalt  }
0x51: {  	_ =	shalt  }
0x52: {  	_ =	shalt  }
0x53: {  	_ =	shalt  }
0x54: {  	_ =	shalt  }
0x55: {  	_ =	shalt  }
0x56: {  	_ =	shalt  }
0x57: {  	_ =	shalt  }
0x58: {  	_ =	shalt  }
0x59: {  	_ =	shalt  }
0x5a: {  	_ =	shalt  }
0x5b: {  	_ =	shalt  }
0x5c: {  	_ =	shalt  }
0x5d: {  	_ =	shalt  }
0x5e: {  	_ =	shalt  }
0x5f: {  	_ =	shalt  }
0x60: {  	_ =	shalt  }
0x61: {  	_ =	shalt  }
0x62: {  	_ =	shalt  }
0x63: {  	_ =	shalt  }
0x64: {  	_ =	shalt  }
0x65: {  	_ =	shalt  }
0x66: {  	_ =	shalt  }
0x67: {  	_ =	shalt  }
0x68: {  	_ =	shalt  }
0x69: {  	_ =	shalt  }
0x6a: {  	_ =	shalt  }
0x6b: {  	_ =	shalt  }
0x6c: {  	_ =	shalt  }
0x6d: {  	_ =	shalt  }
0x6e: {  	_ =	shalt  }
0x6f: {  	_ =	shalt  }
0x70: {  	_ =	shalt  }
0x71: {  	_ =	shalt  }
0x72: {  	_ =	shalt  }
0x73: {  	_ =	shalt  }
0x74: {  	_ =	shalt  }
0x75: {  	_ =	shalt  }
0x76: {  	_ =	shalt  }
0x77: {  	_ =	shalt  }
0x78: {  	_ =	shalt  }
0x79: {  	_ =	shalt  }
0x7a: {  	_ =	shalt  }
0x7b: {  	_ =	shalt  }
0x7c: {  	_ =	shalt  }
0x7d: {  	_ =	shalt  }
0x7e: {  	_ =	shalt  }
0x7f: {  	_ =	shalt  }
0x80: {  	_ =	shalt  }
0x81: {  	_ =	shalt  }
0x82: {  	_ =	shalt  }
0x83: {  	_ =	shalt  }
0x84: {  	_ =	shalt  }
0x85: {  	_ =	shalt  }
0x86: {  	_ =	shalt  }
0x87: {  	_ =	shalt  }
.Lfunc_end0:
.L_simem_size_0:
called_computation_lowered:
.L_overlay_start_0:
0x88: {  	s2 =	sld [smem:$0x3FD9]  }
0x89: {  	s3 =	sld [smem:$0x3FFE];
	_ =	sdelay $0x1  }
0x8a: {  	s1 =	srdreg.scid  }
0x8b: {  	s0 =	sand.u32 $0x1, s1  }
0x8c: {  	s17 =	sshll.u32 s0, $0xA;
	s2 =	sadd.s32 s3, s2  }
0x8d: {  	s2 =	sadd.s32 s2, s17  }
0x8e: {  	[smem:$0x3FC6] =	sst s2  }
0x8f: {  	_ = 	snop  }
0x90: {  	s2 =	sld [smem:$0x3FD0];
	(tm) =	ssettm $0x1  }
0x91: {  	s18 =	sld [smem:$0x3FFB];
	_ =	sdelay $0x3  }
0x92: {  	_ =	strace s18  }
0x93: {  	s3 =	sld [smem:$0x3FFC];
	_ =	sdelay $0x3  }
0x94: {  	_ =	strace s3  }
0x95: {  	s3 =	sld [smem:$0x3FFD];
	_ =	sdelay $0x3  }
0x96: {  	_ =	strace s3  }
0x97: {  	_ =	strace $0x8FFFFFFF  }
0x98: {  	s19 =	sld [smem:$0x3FDB];
	_ =	sdelay $0x1  }
0x99: {  	s4 =	simm.s32 $_scs_section_size  }
0x9a: {  	s5 =	simm.s32 $_size__tile_overlayer_lowered;
	s6 =	simm.s32 $_tile_overlayer_lowered  }
0x9b: {  	s22 =	simm.s32 $0x1BFF;
	s21 =	sshll.u32 s6, $0x1;
	s3 =	sadd.s32 s4, s19  }
0x9c: {  	s7 =	simm.s32 $0x0;
	s20 =	sshll.u32 s5, $0x1;
	s5 =	sadd.s32 s21, s3  }
0x9d: {  	[timem:s7], [sflag:s22] =	dma.local [hbm:s5], s20  }
0x9e: {  	_ =	swait.ge [sflag:s22], s20  }
0x9f: {  	s4 =	ssub.s32 $0x0, s20;
	[sflag:s22] =	ssyncset.done $0x0  }
0xa0: {  	[sflag:s22] =	ssyncadd.s32 s4;
	_ =	sdelay $0x1  }
0xa1: {  	s23 =	simm.s32 $0x1B8B  }
0xa2: {  	_ =	swait.ge [sflag:s23], $0x1  }
0xa3: {  	[sflag:s23] =	ssyncset.done $0x0  }
0xa4: {  	s25 =	simm.s32 $0x1B8E;
	s24 =	sld [smem:$0x3FFE];
	[sflag:s23] =	ssyncadd.s32 $0xFFFFFFFF  }
0xa5: {  	s26 =	simm.s32 $execute0_lowered;
	[smem:$0x3FD2] =	sst s25  }
0xa6: {  	s5 =	sshll.u32 s26, $0x1;
	_ =	strace $0x80000046;
	[dreg:$0x1] =	wrdreg $0xFFFFFFFF  }
0xa7: {  	s28 =	simm.s32 $_size_execute0_lowered;
	s3 =	sadd.s32 s3, s5;
	[dreg:$0x0] =	wrdreg $0x0  }
0xa8: {  	s5 =	sshll.u32 s28, $0x1;
	[dreg:$0x2] =	wrdreg s3  }
0xa9: {  	[dreg:$0x3] =	wrdreg s5  }
0xaa: {  	[dreg:$0x4] =	wrdreg $0xC0  }
0xab: {  	_ =	task [dreg:s7], $0x5FFFF  }
0xac: {  	[dreg:$0x1] =	wrdreg $0xFFFFFFFF  }
0xad: {  	[dreg:$0x0] =	wrdreg $0x60  }
0xae: {  	[dreg:$0x2] =	wrdreg s24  }
0xaf: {  	[dreg:$0x3] =	wrdreg s2  }
0xb0: {  	[dreg:$0x4] =	wrdreg $0x9  }
0xb1: {  	_ =	task.clear_ibuf [dreg:s7], $0x5FFFF;
	_ =	strace $0x90000046  }
0xb2: {  	s29 =	simm.s32 $0x9;
	_ =	strace $0x80000048  }
0xb3: {  	_ =	swait.ge [sflag:s29], $0x1  }
0xb4: {  	[sflag:s29] =	ssyncadd.s32 $0xFFFFFFFF  }
0xb5: {  	_ =	strace $0x90000048  }
0xb6: {  	_ =	sfence  }
0xb7: {  	s30 =	sld [smem:$0x0];
	_ =	sdelay $0x2  }
0xb8: {  	s31 =	sshll.u32 s1, $0xD;
	s1 =	sshrl.u32 s1, $0x2  }
0xb9: {  	s3 =	sand.u32 $0x4000, s31;
	s1 =	sadd.s32 s1, s30  }
0xba: {  	s0 =	sor.u32 s3, s0;
	s1 =	sshll.u32 s1, $0x11  }
0xbb: {  	s0 =	sor.u32 s1, s0  }
0xbc: {  	s0 =	sadd.s32 $0x8F2B, s0  }
0xbd: {  	[sflag:s0] =	ssyncadd.remote.s32 $0x1  }
0xbe: {  	_ =	sfence.sel $0xFFFF  }
0xbf: {  	[dreg:$0x0] =	wrdreg $0xFFFFFFFF;
	(pc) =	sbr.abs _section_cstart, $3  }
0xc0: {  	[dreg:$0x1] =	wrdreg $0xFFFFFFFF  }
0xc1: {  	_ =	task.clear_ibuf [dreg:s7], $0x2FFFF;
	_ =	strace $0x9FFFFFFF  }
0xc2: {  	(tm) =	ssettm $0x7FFFFFFF  }
0xc3: {  	_ =	shalt  }
tec
execute0_lowered:
.L_overlay_start_1:
0x0: {  	(tag) =	ssettag $0x1  }
0x1: {  	s3 =	rddreg [dreg:$0x0]  }
0x2: {  	s4 =	rddreg [dreg:$0x1]  }
0x3: {  	s0 =	rddreg [dreg:$0x2];
	s2 =	simm.s32 $0x0;
	s5 =	srdreg.scid  }
0x4: {  	s1 =	stileid.u32;
	s9 =	simm.s32 $0x4800;
	s10 =	simm.s32 $0x2  }
0x5: {  	[smem:$0x7FF] =	sst s2;
	s5 =	sand.u32 $0x1, s5;
	s6 =	sshll.u32 s1, $0x1  }
0x6: {  	s11 =	simm.s32 $0x0;
	_ =	strace $0x80000047;
	s6 =	sor.u32 s5, s6  }
0x7: {  	s5 =	ssub.s32 $0x2, s5;
	s7 =	sshll.u32 s6, $0x8;
	s6 =	sshll.u32 s6, $0xC  }
0x8: {  	s8 =	sshrl.u32 s5, $0x1;
	s7 =	sadd.s32 s7, s3;
	s3 =	sadd.s32 s4, s6  }
0x9: {  	v1 =	vlaneseq.u32;
	s31 =	ssub.s32 s5, s8;
	s8 =	simm.s32 $0x800;
	s4 =	sadd.s32 $0x800, s7  }
0xa: {  	v0 =	vimm.f32 $0.0e+00;
	v1 =	vmul.u32 $0x40, v1;
	s5 =	sadd.s32 $0x800, s3;
	s6 =	smax.u32 s31, $0x1;
	s7 =	simm.s32 $0x1  }
.LBB2_1:
0xb: {  	[tilespmem:s2], [sflag:$0x1] =	stream.linear.gather [hbm4b:s4+s2], $0x800, $0x38;
	[tilespmem:$0x8800] =	vst v63  }
0xc: {  	s12 =	simm.s32 $0x0;
	s13 =	simm.s32 $0x200  }
.LBB2_2:
0xd: {  	p0 =	sne.s32 s13, $0x1FE00;
	[tilespmem:s12+$0x870] =	vst v0  }
0xe: {  	[tilespmem:s12+$0x800] =	vst v0  }
0xf: {  	[tilespmem:s12+$0x810] =	vst v0  }
.Ltmp0:
0x10: {  	[tilespmem:s12+$0x820] =	vst v0;
	(pc) =	sbr.rel @p0 .LBB2_2-.Ltmp0, $4  }
0x11: {  	[tilespmem:s12+$0x830] =	vst v0  }
0x12: {  	[tilespmem:s12+$0x840] =	vst v0  }
0x13: {  	[tilespmem:s12+$0x850] =	vst v0  }
0x14: {  	[tilespmem:s12+$0x860] =	vst v0;
	s12 =	sshra.s32 s13, $0x2;
	s13 =	sadd.s32 $0x200, s13  }
0x15: {  	[tilespmem:s12+$0x870] =	vst v0  }
0x16: {  	[tilespmem:s12+$0x800] =	vst v0  }
0x17: {  	[tilespmem:s12+$0x810] =	vst v0  }
0x18: {  	[tilespmem:s12+$0x820] =	vst v0  }
0x19: {  	[tilespmem:s12+$0x830] =	vst v0  }
0x1a: {  	[tilespmem:s12+$0x840] =	vst v0  }
0x1b: {  	[tilespmem:s12+$0x850] =	vst v0  }
0x1c: {  	[tilespmem:s12+$0x860] =	vst v0  }
0x1d: {  	_ =	swait.ge [sflag:s7], $0x800  }
0x1e: {  	[sflag:s7] =	ssyncset.done $0x0  }
0x1f: {  	s12 =	simm.s32 $0x0;
	s13 =	simm.s32 $0x0;
	[sflag:s7] =	ssyncadd.s32 $0xFFFFF800  }
.LBB2_4:
0x20: {  	s14 =	sand.u32 $0x70, s13;
	s15 =	sand.u32 $0x200, s12  }
0x21: {  	s14 =	sor.u32 s14, s15  }
0x22: {  	v2 =	vld [tilespmem:s14+$0x100];
	_ =	sdelay $0x1  }
0x23: {  	v3 =	vmov s13  }
0x24: {  	v3 =	vshll.u32 v3, $0x6  }
0x25: {  	v3 =	vor.u32 v1, v3  }
0x26: {  	v4 =	vld [tilespmem:s14+$0x0];
	v2 =	vadd.s32 v3, v2;
	_ =	sdelay $0x4  }
0x27: {  	[tilespmem:v2+s8+$0x0] =	vst.idx.msk $0xffff, v4  }
0x28: {  	v2 =	vld [tilespmem:s14+$0x180];
	_ =	sdelay $0x4  }
0x29: {  	p0 =	sne.s32 s13, $0xF0;
	v2 =	vadd.s32 v3, v2;
	v3 =	vld [tilespmem:s14+$0x80]  }
.Ltmp1:
0x2a: {  	_ = 	snop;
	(pc) =	sbr.rel @p0 .LBB2_4-.Ltmp1, $2  }
0x2b: {  	_ =	sdelay $0x2  }
0x2c: {  	s12 =	sadd.s32 $0x40, s12;
	s13 =	sadd.s32 $0x10, s13;
	[tilespmem:v2+s8+$0x0] =	vst.idx.msk $0xffff, v3  }
0x2d: {  	[hbm4b:s3+s2] =	stream.linear.scatter [tilespmem:s8], [sflag:$0x1], $0x4000, $0x38;
	[tilespmem:$0x8800] =	vst v63  }
0x2e: {  	s12 =	simm.s32 $0x100;
	s13 =	simm.s32 $0x400  }
.LBB2_6:
0x2f: {  	s14 =	sand.u32 $0x70, s12;
	s15 =	sand.u32 $0x600, s13  }
0x30: {  	s14 =	sor.u32 s14, s15  }
0x31: {  	v2 =	vld [tilespmem:s14+$0x100];
	_ =	sdelay $0x1  }
0x32: {  	v3 =	vmov s12  }
0x33: {  	v3 =	vshll.u32 v3, $0x6  }
0x34: {  	v3 =	vor.u32 v1, v3  }
0x35: {  	v4 =	vld [tilespmem:s14+$0x0];
	v2 =	vadd.s32 v3, v2;
	_ =	sdelay $0x4  }
0x36: {  	[tilespmem:v2+s8+$0x0] =	vst.idx.msk $0xffff, v4  }
0x37: {  	v2 =	vld [tilespmem:s14+$0x180];
	_ =	sdelay $0x4  }
0x38: {  	p0 =	sne.s32 s12, $0x1F0;
	v2 =	vadd.s32 v3, v2;
	v3 =	vld [tilespmem:s14+$0x80]  }
.Ltmp2:
0x39: {  	_ = 	snop;
	(pc) =	sbr.rel @p0 .LBB2_6-.Ltmp2, $2  }
0x3a: {  	_ =	sdelay $0x2  }
0x3b: {  	s13 =	sadd.s32 $0x40, s13;
	s12 =	sadd.s32 $0x10, s12;
	[tilespmem:v2+s8+$0x0] =	vst.idx.msk $0xffff, v3  }
0x3c: {  	_ =	swait.ge [sflag:s7], $0x4000;
	s11 =	sadd.s32 $0x1, s11  }
0x3d: {  	[sflag:s7] =	ssyncset.done $0x0;
	p0 =	sne.s32 s11, s6  }
.Ltmp3:
0x3e: {  	[sflag:s7] =	ssyncadd.s32 $0xFFFFC000;
	(pc) =	sbr.rel @p0 .LBB2_1-.Ltmp3, $4  }
0x3f: {  	[hbm4b:s5+s2] =	stream.linear.scatter [tilespmem:s9], [sflag:$0x2], $0x4000, $0x38;
	[tilespmem:$0x8800] =	vst v63  }
0x40: {  	_ =	swait.ge [sflag:s10], $0x4000  }
0x41: {  	[sflag:s10] =	ssyncset.done $0x0  }
0x42: {  	[sflag:s10] =	ssyncadd.s32 $0xFFFFC000  }
0x43: {  	_ =	sfence.sel $0x180000  }
0x44: {  	[bflag:$0x0] =	sbarrier.arrive $0xFFFF  }
0x45: {  	p0 =	sne.s32 s1, $0x0;
	_ =	strace $0x90000047  }
0x46: {  	s0 =	sadd.s32 @!p0 $0x100000, s0;
	[bflag:$0x2] =	sbarrier.arrive $0xFFFF  }
0x47: {  	[sflag:s0] =	ssyncadd.tile.s32 @!p0 $0x1;
	_ =	shalt  }
.Lfunc_end2:
_tile_overlayer_lowered:
.L_overlay_start_2:
0x48: {  	(tag) =	ssettag $0x2  }
0x49: {  	s0 =	rddreg [dreg:$0x0];
	s2 =	stileid.u32  }
0x4a: {  	s1 =	rddreg [dreg:$0x1];
	p0 =	sne.s32 s2, $0x0  }
0x4b: {  	s3 =	rddreg [dreg:$0x2];
	[bflag:$0x3] =	sbarrier.arrive $0xFFFF;
	s2 =	simm.s32 @!p0 $0x1C02  }
0x4c: {  	[timem:s3], [sflag:s2] =	dma.local @!p0 [hbm:s0], s1  }
0x4d: {  	s0 =	simm.s32 @!p0 $0x2  }
0x4e: {  	_ =	swait.ge @!p0 [sflag:s0], s1  }
0x4f: {  	s1 =	ssub.s32 @!p0 $0x0, s1;
	[sflag:s0] =	ssyncset.done @!p0 $0x0  }
0x50: {  	[sflag:s0] =	ssyncadd.s32 @!p0 s1  }
0x51: {  	[bflag:$0x3] =	sbarrier.arrive $0xFFFF  }
0x52: {  	_ =	shalt  }

</sc_bundles>
